<compile_context>
chip_gen: v7x
topology: tpu7x:2x2x1
jax: 0.10.2.dev20260603
libtpu: 0.0.44.dev20260713+nightly
codegen_flags: <defaults>
</compile_context>

<pallas_src>
import functools

import jax
import jax.numpy as jnp
from jax import lax
from jax.experimental import pallas as pl
from jax.experimental.pallas import tpu as pltpu
from jax.experimental.pallas import tpu_sc as plsc

NUM_EXPERTS = 8
TOP_K = 2
BLK = 2048
N_TOKENS = 32768
NUM_WORKERS = 32
CHUNK = N_TOKENS // NUM_WORKERS
LANES = 16


def _tc_body(x_ref, wt_ref, b_ref, logits_ref, probs_ref):
    x = x_ref[...]
    wt = wt_ref[...]
    logits = jnp.dot(x, wt, preferred_element_type=jnp.float32) + b_ref[...]

    lt = logits.T
    logits_ref[...] = lt
    m = jnp.max(lt, axis=0, keepdims=True)
    e = jnp.exp(lt - m)
    s = jnp.sum(e, axis=0, keepdims=True)
    probs_ref[...] = e / s


@functools.partial(
    pl.kernel,
    mesh=plsc.VectorSubcoreMesh(core_axis_name="c", subcore_axis_name="s"),
    out_type=[
        jax.ShapeDtypeStruct((TOP_K, N_TOKENS), jnp.float32),
        jax.ShapeDtypeStruct((TOP_K, N_TOKENS), jnp.int32),
    ],
    scratch_types=[
        pltpu.VMEM((NUM_EXPERTS, CHUNK), jnp.float32),
        pltpu.VMEM((TOP_K, CHUNK), jnp.float32),
        pltpu.VMEM((TOP_K, CHUNK), jnp.int32),
    ],
)
def _sc_router(probs_hbm, w_hbm, idx_hbm, p_v, w_v, i_v):
    wid = lax.axis_index("s") * 2 + lax.axis_index("c")
    base = wid * CHUNK
    pltpu.sync_copy(probs_hbm.at[:, pl.ds(base, CHUNK)], p_v)

    def body(j, carry):
        o = j * LANES
        m1 = p_v[0, pl.ds(o, LANES)]
        i1 = jnp.zeros((LANES,), jnp.int32)
        for e in range(1, NUM_EXPERTS):
            pe = p_v[e, pl.ds(o, LANES)]
            better = pe > m1
            m1 = jnp.where(better, pe, m1)
            i1 = jnp.where(better, jnp.int32(e), i1)
        m2 = jnp.full((LANES,), -1.0, jnp.float32)
        i2 = jnp.zeros((LANES,), jnp.int32)
        for e in range(NUM_EXPERTS):
            pe = p_v[e, pl.ds(o, LANES)]
            pe = jnp.where(i1 == e, -1.0, pe)
            better = pe > m2
            m2 = jnp.where(better, pe, m2)
            i2 = jnp.where(better, jnp.int32(e), i2)
        t = jnp.exp(m2 - m1)
        denom = 1.0 + t
        w_v[0, pl.ds(o, LANES)] = 1.0 / denom
        w_v[1, pl.ds(o, LANES)] = t / denom
        i_v[0, pl.ds(o, LANES)] = i1
        i_v[1, pl.ds(o, LANES)] = i2
        return carry

    lax.fori_loop(0, CHUNK // LANES, body, 0)
    pltpu.sync_copy(w_v, w_hbm.at[:, pl.ds(base, CHUNK)])
    pltpu.sync_copy(i_v, idx_hbm.at[:, pl.ds(base, CHUNK)])


@jax.jit
def kernel(inputs, W, b):
    B, S, D = inputs.shape
    N = B * S
    x2d = inputs.reshape(N, D)
    wt = W.T
    b2d = b.reshape(1, NUM_EXPERTS)

    grid = (N // BLK,)
    logits_t, probs_t = pl.pallas_call(
        _tc_body,
        grid=grid,
        in_specs=[
            pl.BlockSpec((BLK, D), lambda i: (i, 0)),
            pl.BlockSpec((D, NUM_EXPERTS), lambda i: (0, 0)),
            pl.BlockSpec((1, NUM_EXPERTS), lambda i: (0, 0)),
        ],
        out_specs=[
            pl.BlockSpec((NUM_EXPERTS, BLK), lambda i: (0, i)),
            pl.BlockSpec((NUM_EXPERTS, BLK), lambda i: (0, i)),
        ],
        out_shape=[
            jax.ShapeDtypeStruct((NUM_EXPERTS, N), jnp.float32),
            jax.ShapeDtypeStruct((NUM_EXPERTS, N), jnp.float32),
        ],
    )(x2d, wt, b2d)

    w_t, idx_t = _sc_router(probs_t)

    return (
        logits_t.T.reshape(B, S, NUM_EXPERTS),
        probs_t.T.reshape(B, S, NUM_EXPERTS),
        w_t.T.reshape(B, S, TOP_K),
        idx_t.T.reshape(B, S, TOP_K),
    )

# --- scband reference (transcript-rebuilt; emitter-appended) ---
"""Pipeline reference for scband-attentive-router-44684839748098 (READ-ONLY COPY).

The authoritative reference and input builder live on the scoring server;
editing this copy changes nothing except your own understanding.
"""

import jax, jax.numpy as jnp
import numpy as np

INPUT_DIM = 1024
NUM_EXPERTS = 8
TOP_K = 2

def setup_inputs(seed: int = 0) -> dict:
    key = jax.random.key(seed)
    k1, k2 = jax.random.split(key)
    inputs = jax.random.normal(k1, (4, 8192, INPUT_DIM), dtype=jnp.float32)
    # router Linear: weight [num_experts, input_dim] (torch layout), bias [num_experts]
    # orthogonal init with gain=0.1 approximated by scaled normal for reference purposes
    W = jax.random.normal(k2, (NUM_EXPERTS, INPUT_DIM), dtype=jnp.float32) * 0.1 / jnp.sqrt(INPUT_DIM)
    b = jnp.zeros((NUM_EXPERTS,), dtype=jnp.float32)
    return {"inputs": inputs, "W": W, "b": b}

def reference(inputs, W, b):
    # router_logits = Linear(inputs): [B, S, E]
    router_logits = jnp.einsum('bsd,ed->bse', inputs, W) + b
    router_probs = jax.nn.softmax(router_logits, axis=-1)
    top_k_probs, top_k_indices = jax.lax.top_k(router_probs, TOP_K)
    top_k_weights = jax.nn.softmax(top_k_probs, axis=-1)
    return (router_logits, router_probs, top_k_weights, top_k_indices)

if __name__ == "__main__":
    import jax
    _d = setup_inputs()
    print(jax.jit(kernel)(*tuple(_d.values())))

</pallas_src>

<mosaic_0001>
#map = affine_map<(d0, d1) -> (0, 0)>
module attributes {stable_mosaic.version = 14 : i64} {
  func.func @_sc_router(%arg0: i32, %arg1: i32, %arg2: memref<8x32768xf32, #tpu.memory_space<hbm>>, %arg3: memref<2x32768xf32, #tpu.memory_space<hbm>>, %arg4: memref<2x32768xi32, #tpu.memory_space<hbm>>, %arg5: memref<8x1024xf32, #tpu.memory_space<vmem>>, %arg6: memref<2x1024xf32, #tpu.memory_space<vmem>>, %arg7: memref<2x1024xi32, #tpu.memory_space<vmem>>) attributes {dimension_semantics = [#tpu.dimension_semantics<core_parallel>, #tpu.dimension_semantics<subcore_parallel>], iteration_bounds = array<i64: 2, 16>, scalar_prefetch = 0 : i64, scratch_operands = 3 : i64, tpu.core_type = #tpu.core_type<sc_vector_subcore>, window_params = [{transform_indices = #map}, {transform_indices = #map}, {transform_indices = #map}]} {
    %mul3A = arith.constant 2 : i32
    %mul3A_0 = arith.muli %arg1, %mul3A : i32
    %add3A = arith.addi %mul3A_0, %arg0 : i32
    %mul3A_1 = arith.constant 1024 : i32
    %mul3A_2 = arith.muli %add3A, %mul3A_1 : i32
    "tpu.region"() ({
      %run_scoped3A = tpu.sem_alloc : memref<!tpu.dma_semaphore, #tpu.memory_space<semaphore_mem>>
      %dma_start3A = arith.constant 0 : i32
      %dma_start3A_8 = tpu.memref_slice %arg2[%dma_start3A, %mul3A_2] : memref<8x32768xf32, #tpu.memory_space<hbm>> -> memref<8x1024xf32, #tpu.memory_space<hbm>>
      %dma_start3A_9 = arith.constant 0 : i32
      %dma_start3A_10 = tpu.memref_slice %arg2[%dma_start3A_9, %mul3A_2] : memref<8x32768xf32, #tpu.memory_space<hbm>> -> memref<8x1024xf32, #tpu.memory_space<hbm>>
      tpu.enqueue_dma source(%dma_start3A_10 : memref<8x1024xf32, #tpu.memory_space<hbm>>) target(%arg5 : memref<8x1024xf32, #tpu.memory_space<vmem>>) target_semaphore(%run_scoped3A : memref<!tpu.dma_semaphore, #tpu.memory_space<semaphore_mem>>)
      %dma_wait3A = arith.constant 0 : i32
      %dma_wait3A_11 = tpu.memref_slice %arg2[%dma_wait3A, %mul3A_2] : memref<8x32768xf32, #tpu.memory_space<hbm>> -> memref<8x1024xf32, #tpu.memory_space<hbm>>
      %dma_wait3A_12 = arith.constant 0 : i32
      %dma_wait3A_13 = tpu.memref_slice %arg2[%dma_wait3A_12, %mul3A_2] : memref<8x32768xf32, #tpu.memory_space<hbm>> -> memref<8x1024xf32, #tpu.memory_space<hbm>>
      tpu.wait_dma2 semaphore(%run_scoped3A : memref<!tpu.dma_semaphore, #tpu.memory_space<semaphore_mem>>) src(%dma_wait3A_13 : memref<8x1024xf32, #tpu.memory_space<hbm>>) dst(%arg5 : memref<8x1024xf32, #tpu.memory_space<vmem>>)
      tpu.yield
    }) : () -> ()
    %scan3A = arith.constant 0 : i32
    %scan3A_3 = arith.constant 0 : i32
    %scan3A_4 = arith.constant 64 : i32
    %scan3A_5 = arith.addi %scan3A_3, %scan3A_4 : i32
    %scan3A_6 = arith.constant 1 : i32
    scf.for %scan3A_8 = %scan3A_3 to %scan3A_5 step %scan3A_6  : i32 {
      %mul3A_9 = arith.constant 16 : i32
      %mul3A_10 = arith.muli %scan3A_8, %mul3A_9 : i32
      %get3A = arith.constant 0 : i32
      %get3A_11 = arith.index_cast %get3A : i32 to index
      %get3A_12 = arith.index_cast %mul3A_10 : i32 to index
      %get3A_13 = tpu.vector_load %arg5[%get3A_11, %get3A_12] {strides = array<i32>} : memref<8x1024xf32, #tpu.memory_space<vmem>>, vector<1x16xf32>,
      %get3A_14 = vector.shape_cast %get3A_13 : vector<1x16xf32> to vector<16xf32>
      %broadcast_in_dim3A = arith.constant 0 : i32
      %broadcast_in_dim3A_15 = vector.broadcast %broadcast_in_dim3A : i32 to vector<16xi32>
      %get3A_16 = arith.constant 1 : i32
      %get3A_17 = arith.index_cast %get3A_16 : i32 to index
      %get3A_18 = arith.index_cast %mul3A_10 : i32 to index
      %get3A_19 = tpu.vector_load %arg5[%get3A_17, %get3A_18] {strides = array<i32>} : memref<8x1024xf32, #tpu.memory_space<vmem>>, vector<1x16xf32>,
      %get3A_20 = vector.shape_cast %get3A_19 : vector<1x16xf32> to vector<16xf32>
      %gt3A = arith.cmpf ogt, %get3A_20, %get3A_14 : vector<16xf32>
      %select_n3A = arith.select %gt3A, %get3A_20, %get3A_14 : vector<16xi1>, vector<16xf32>
      %jit3A = arith.constant 1 : i32
      %broadcast_in_dim3A_21 = vector.broadcast %jit3A : i32 to vector<16xi32>
      %select_n3A_22 = arith.select %gt3A, %broadcast_in_dim3A_21, %broadcast_in_dim3A_15 : vector<16xi1>, vector<16xi32>
      %get3A_23 = arith.constant 2 : i32
      %get3A_24 = arith.index_cast %get3A_23 : i32 to index
      %get3A_25 = arith.index_cast %mul3A_10 : i32 to index
      %get3A_26 = tpu.vector_load %arg5[%get3A_24, %get3A_25] {strides = array<i32>} : memref<8x1024xf32, #tpu.memory_space<vmem>>, vector<1x16xf32>,
      %get3A_27 = vector.shape_cast %get3A_26 : vector<1x16xf32> to vector<16xf32>
      %gt3A_28 = arith.cmpf ogt, %get3A_27, %select_n3A : vector<16xf32>
      %select_n3A_29 = arith.select %gt3A_28, %get3A_27, %select_n3A : vector<16xi1>, vector<16xf32>
      %jit3A_30 = arith.constant 2 : i32
      %broadcast_in_dim3A_31 = vector.broadcast %jit3A_30 : i32 to vector<16xi32>
      %select_n3A_32 = arith.select %gt3A_28, %broadcast_in_dim3A_31, %select_n3A_22 : vector<16xi1>, vector<16xi32>
      %get3A_33 = arith.constant 3 : i32
      %get3A_34 = arith.index_cast %get3A_33 : i32 to index
      %get3A_35 = arith.index_cast %mul3A_10 : i32 to index
      %get3A_36 = tpu.vector_load %arg5[%get3A_34, %get3A_35] {strides = array<i32>} : memref<8x1024xf32, #tpu.memory_space<vmem>>, vector<1x16xf32>,
      %get3A_37 = vector.shape_cast %get3A_36 : vector<1x16xf32> to vector<16xf32>
      %gt3A_38 = arith.cmpf ogt, %get3A_37, %select_n3A_29 : vector<16xf32>
      %select_n3A_39 = arith.select %gt3A_38, %get3A_37, %select_n3A_29 : vector<16xi1>, vector<16xf32>
      %jit3A_40 = arith.constant 3 : i32
      %broadcast_in_dim3A_41 = vector.broadcast %jit3A_40 : i32 to vector<16xi32>
      %select_n3A_42 = arith.select %gt3A_38, %broadcast_in_dim3A_41, %select_n3A_32 : vector<16xi1>, vector<16xi32>
      %get3A_43 = arith.constant 4 : i32
      %get3A_44 = arith.index_cast %get3A_43 : i32 to index
      %get3A_45 = arith.index_cast %mul3A_10 : i32 to index
      %get3A_46 = tpu.vector_load %arg5[%get3A_44, %get3A_45] {strides = array<i32>} : memref<8x1024xf32, #tpu.memory_space<vmem>>, vector<1x16xf32>,
      %get3A_47 = vector.shape_cast %get3A_46 : vector<1x16xf32> to vector<16xf32>
      %gt3A_48 = arith.cmpf ogt, %get3A_47, %select_n3A_39 : vector<16xf32>
      %select_n3A_49 = arith.select %gt3A_48, %get3A_47, %select_n3A_39 : vector<16xi1>, vector<16xf32>
      %jit3A_50 = arith.constant 4 : i32
      %broadcast_in_dim3A_51 = vector.broadcast %jit3A_50 : i32 to vector<16xi32>
      %select_n3A_52 = arith.select %gt3A_48, %broadcast_in_dim3A_51, %select_n3A_42 : vector<16xi1>, vector<16xi32>
      %get3A_53 = arith.constant 5 : i32
      %get3A_54 = arith.index_cast %get3A_53 : i32 to index
      %get3A_55 = arith.index_cast %mul3A_10 : i32 to index
      %get3A_56 = tpu.vector_load %arg5[%get3A_54, %get3A_55] {strides = array<i32>} : memref<8x1024xf32, #tpu.memory_space<vmem>>, vector<1x16xf32>,
      %get3A_57 = vector.shape_cast %get3A_56 : vector<1x16xf32> to vector<16xf32>
      %gt3A_58 = arith.cmpf ogt, %get3A_57, %select_n3A_49 : vector<16xf32>
      %select_n3A_59 = arith.select %gt3A_58, %get3A_57, %select_n3A_49 : vector<16xi1>, vector<16xf32>
      %jit3A_60 = arith.constant 5 : i32
      %broadcast_in_dim3A_61 = vector.broadcast %jit3A_60 : i32 to vector<16xi32>
      %select_n3A_62 = arith.select %gt3A_58, %broadcast_in_dim3A_61, %select_n3A_52 : vector<16xi1>, vector<16xi32>
      %get3A_63 = arith.constant 6 : i32
      %get3A_64 = arith.index_cast %get3A_63 : i32 to index
      %get3A_65 = arith.index_cast %mul3A_10 : i32 to index
      %get3A_66 = tpu.vector_load %arg5[%get3A_64, %get3A_65] {strides = array<i32>} : memref<8x1024xf32, #tpu.memory_space<vmem>>, vector<1x16xf32>,
      %get3A_67 = vector.shape_cast %get3A_66 : vector<1x16xf32> to vector<16xf32>
      %gt3A_68 = arith.cmpf ogt, %get3A_67, %select_n3A_59 : vector<16xf32>
      %select_n3A_69 = arith.select %gt3A_68, %get3A_67, %select_n3A_59 : vector<16xi1>, vector<16xf32>
      %jit3A_70 = arith.constant 6 : i32
      %broadcast_in_dim3A_71 = vector.broadcast %jit3A_70 : i32 to vector<16xi32>
      %select_n3A_72 = arith.select %gt3A_68, %broadcast_in_dim3A_71, %select_n3A_62 : vector<16xi1>, vector<16xi32>
      %get3A_73 = arith.constant 7 : i32
      %get3A_74 = arith.index_cast %get3A_73 : i32 to index
      %get3A_75 = arith.index_cast %mul3A_10 : i32 to index
      %get3A_76 = tpu.vector_load %arg5[%get3A_74, %get3A_75] {strides = array<i32>} : memref<8x1024xf32, #tpu.memory_space<vmem>>, vector<1x16xf32>,
      %get3A_77 = vector.shape_cast %get3A_76 : vector<1x16xf32> to vector<16xf32>
      %gt3A_78 = arith.cmpf ogt, %get3A_77, %select_n3A_69 : vector<16xf32>
      %select_n3A_79 = arith.select %gt3A_78, %get3A_77, %select_n3A_69 : vector<16xi1>, vector<16xf32>
      %jit3A_80 = arith.constant 7 : i32
      %broadcast_in_dim3A_81 = vector.broadcast %jit3A_80 : i32 to vector<16xi32>
      %select_n3A_82 = arith.select %gt3A_78, %broadcast_in_dim3A_81, %select_n3A_72 : vector<16xi1>, vector<16xi32>
      %broadcast_in_dim3A_83 = arith.constant -1.000000e+00 : f32
      %broadcast_in_dim3A_84 = vector.broadcast %broadcast_in_dim3A_83 : f32 to vector<16xf32>
      %broadcast_in_dim3A_85 = arith.constant 0 : i32
      %broadcast_in_dim3A_86 = vector.broadcast %broadcast_in_dim3A_85 : i32 to vector<16xi32>
      %get3A_87 = arith.constant 0 : i32
      %get3A_88 = arith.index_cast %get3A_87 : i32 to index
      %get3A_89 = arith.index_cast %mul3A_10 : i32 to index
      %get3A_90 = tpu.vector_load %arg5[%get3A_88, %get3A_89] {strides = array<i32>} : memref<8x1024xf32, #tpu.memory_space<vmem>>, vector<1x16xf32>,
      %get3A_91 = vector.shape_cast %get3A_90 : vector<1x16xf32> to vector<16xf32>
      %eq3A = arith.constant 0 : i32
      %eq3A_92 = vector.broadcast %eq3A : i32 to vector<16xi32>
      %eq3A_93 = arith.cmpi eq, %select_n3A_82, %eq3A_92 : vector<16xi32>
      %jit3A_94 = arith.constant -1.000000e+00 : f32
      %broadcast_in_dim3A_95 = vector.broadcast %jit3A_94 : f32 to vector<16xf32>
      %select_n3A_96 = arith.select %eq3A_93, %broadcast_in_dim3A_95, %get3A_91 : vector<16xi1>, vector<16xf32>
      %gt3A_97 = arith.cmpf ogt, %select_n3A_96, %broadcast_in_dim3A_84 : vector<16xf32>
      %select_n3A_98 = arith.select %gt3A_97, %select_n3A_96, %broadcast_in_dim3A_84 : vector<16xi1>, vector<16xf32>
      %jit3A_99 = arith.constant 0 : i32
      %broadcast_in_dim3A_100 = vector.broadcast %jit3A_99 : i32 to vector<16xi32>
      %select_n3A_101 = arith.select %gt3A_97, %broadcast_in_dim3A_100, %broadcast_in_dim3A_86 : vector<16xi1>, vector<16xi32>
      %get3A_102 = arith.constant 1 : i32
      %get3A_103 = arith.index_cast %get3A_102 : i32 to index
      %get3A_104 = arith.index_cast %mul3A_10 : i32 to index
      %get3A_105 = tpu.vector_load %arg5[%get3A_103, %get3A_104] {strides = array<i32>} : memref<8x1024xf32, #tpu.memory_space<vmem>>, vector<1x16xf32>,
      %get3A_106 = vector.shape_cast %get3A_105 : vector<1x16xf32> to vector<16xf32>
      %eq3A_107 = arith.constant 1 : i32
      %eq3A_108 = vector.broadcast %eq3A_107 : i32 to vector<16xi32>
      %eq3A_109 = arith.cmpi eq, %select_n3A_82, %eq3A_108 : vector<16xi32>
      %jit3A_110 = arith.constant -1.000000e+00 : f32
      %broadcast_in_dim3A_111 = vector.broadcast %jit3A_110 : f32 to vector<16xf32>
      %select_n3A_112 = arith.select %eq3A_109, %broadcast_in_dim3A_111, %get3A_106 : vector<16xi1>, vector<16xf32>
      %gt3A_113 = arith.cmpf ogt, %select_n3A_112, %select_n3A_98 : vector<16xf32>
      %select_n3A_114 = arith.select %gt3A_113, %select_n3A_112, %select_n3A_98 : vector<16xi1>, vector<16xf32>
      %jit3A_115 = arith.constant 1 : i32
      %broadcast_in_dim3A_116 = vector.broadcast %jit3A_115 : i32 to vector<16xi32>
      %select_n3A_117 = arith.select %gt3A_113, %broadcast_in_dim3A_116, %select_n3A_101 : vector<16xi1>, vector<16xi32>
      %get3A_118 = arith.constant 2 : i32
      %get3A_119 = arith.index_cast %get3A_118 : i32 to index
      %get3A_120 = arith.index_cast %mul3A_10 : i32 to index
      %get3A_121 = tpu.vector_load %arg5[%get3A_119, %get3A_120] {strides = array<i32>} : memref<8x1024xf32, #tpu.memory_space<vmem>>, vector<1x16xf32>,
      %get3A_122 = vector.shape_cast %get3A_121 : vector<1x16xf32> to vector<16xf32>
      %eq3A_123 = arith.constant 2 : i32
      %eq3A_124 = vector.broadcast %eq3A_123 : i32 to vector<16xi32>
      %eq3A_125 = arith.cmpi eq, %select_n3A_82, %eq3A_124 : vector<16xi32>
      %jit3A_126 = arith.constant -1.000000e+00 : f32
      %broadcast_in_dim3A_127 = vector.broadcast %jit3A_126 : f32 to vector<16xf32>
      %select_n3A_128 = arith.select %eq3A_125, %broadcast_in_dim3A_127, %get3A_122 : vector<16xi1>, vector<16xf32>
      %gt3A_129 = arith.cmpf ogt, %select_n3A_128, %select_n3A_114 : vector<16xf32>
      %select_n3A_130 = arith.select %gt3A_129, %select_n3A_128, %select_n3A_114 : vector<16xi1>, vector<16xf32>
      %jit3A_131 = arith.constant 2 : i32
      %broadcast_in_dim3A_132 = vector.broadcast %jit3A_131 : i32 to vector<16xi32>
      %select_n3A_133 = arith.select %gt3A_129, %broadcast_in_dim3A_132, %select_n3A_117 : vector<16xi1>, vector<16xi32>
      %get3A_134 = arith.constant 3 : i32
      %get3A_135 = arith.index_cast %get3A_134 : i32 to index
      %get3A_136 = arith.index_cast %mul3A_10 : i32 to index
      %get3A_137 = tpu.vector_load %arg5[%get3A_135, %get3A_136] {strides = array<i32>} : memref<8x1024xf32, #tpu.memory_space<vmem>>, vector<1x16xf32>,
      %get3A_138 = vector.shape_cast %get3A_137 : vector<1x16xf32> to vector<16xf32>
      %eq3A_139 = arith.constant 3 : i32
      %eq3A_140 = vector.broadcast %eq3A_139 : i32 to vector<16xi32>
      %eq3A_141 = arith.cmpi eq, %select_n3A_82, %eq3A_140 : vector<16xi32>
      %jit3A_142 = arith.constant -1.000000e+00 : f32
      %broadcast_in_dim3A_143 = vector.broadcast %jit3A_142 : f32 to vector<16xf32>
      %select_n3A_144 = arith.select %eq3A_141, %broadcast_in_dim3A_143, %get3A_138 : vector<16xi1>, vector<16xf32>
      %gt3A_145 = arith.cmpf ogt, %select_n3A_144, %select_n3A_130 : vector<16xf32>
      %select_n3A_146 = arith.select %gt3A_145, %select_n3A_144, %select_n3A_130 : vector<16xi1>, vector<16xf32>
      %jit3A_147 = arith.constant 3 : i32
      %broadcast_in_dim3A_148 = vector.broadcast %jit3A_147 : i32 to vector<16xi32>
      %select_n3A_149 = arith.select %gt3A_145, %broadcast_in_dim3A_148, %select_n3A_133 : vector<16xi1>, vector<16xi32>
      %get3A_150 = arith.constant 4 : i32
      %get3A_151 = arith.index_cast %get3A_150 : i32 to index
      %get3A_152 = arith.index_cast %mul3A_10 : i32 to index
      %get3A_153 = tpu.vector_load %arg5[%get3A_151, %get3A_152] {strides = array<i32>} : memref<8x1024xf32, #tpu.memory_space<vmem>>, vector<1x16xf32>,
      %get3A_154 = vector.shape_cast %get3A_153 : vector<1x16xf32> to vector<16xf32>
      %eq3A_155 = arith.constant 4 : i32
      %eq3A_156 = vector.broadcast %eq3A_155 : i32 to vector<16xi32>
      %eq3A_157 = arith.cmpi eq, %select_n3A_82, %eq3A_156 : vector<16xi32>
      %jit3A_158 = arith.constant -1.000000e+00 : f32
      %broadcast_in_dim3A_159 = vector.broadcast %jit3A_158 : f32 to vector<16xf32>
      %select_n3A_160 = arith.select %eq3A_157, %broadcast_in_dim3A_159, %get3A_154 : vector<16xi1>, vector<16xf32>
      %gt3A_161 = arith.cmpf ogt, %select_n3A_160, %select_n3A_146 : vector<16xf32>
      %select_n3A_162 = arith.select %gt3A_161, %select_n3A_160, %select_n3A_146 : vector<16xi1>, vector<16xf32>
      %jit3A_163 = arith.constant 4 : i32
      %broadcast_in_dim3A_164 = vector.broadcast %jit3A_163 : i32 to vector<16xi32>
      %select_n3A_165 = arith.select %gt3A_161, %broadcast_in_dim3A_164, %select_n3A_149 : vector<16xi1>, vector<16xi32>
      %get3A_166 = arith.constant 5 : i32
      %get3A_167 = arith.index_cast %get3A_166 : i32 to index
      %get3A_168 = arith.index_cast %mul3A_10 : i32 to index
      %get3A_169 = tpu.vector_load %arg5[%get3A_167, %get3A_168] {strides = array<i32>} : memref<8x1024xf32, #tpu.memory_space<vmem>>, vector<1x16xf32>,
      %get3A_170 = vector.shape_cast %get3A_169 : vector<1x16xf32> to vector<16xf32>
      %eq3A_171 = arith.constant 5 : i32
      %eq3A_172 = vector.broadcast %eq3A_171 : i32 to vector<16xi32>
      %eq3A_173 = arith.cmpi eq, %select_n3A_82, %eq3A_172 : vector<16xi32>
      %jit3A_174 = arith.constant -1.000000e+00 : f32
      %broadcast_in_dim3A_175 = vector.broadcast %jit3A_174 : f32 to vector<16xf32>
      %select_n3A_176 = arith.select %eq3A_173, %broadcast_in_dim3A_175, %get3A_170 : vector<16xi1>, vector<16xf32>
      %gt3A_177 = arith.cmpf ogt, %select_n3A_176, %select_n3A_162 : vector<16xf32>
      %select_n3A_178 = arith.select %gt3A_177, %select_n3A_176, %select_n3A_162 : vector<16xi1>, vector<16xf32>
      %jit3A_179 = arith.constant 5 : i32
      %broadcast_in_dim3A_180 = vector.broadcast %jit3A_179 : i32 to vector<16xi32>
      %select_n3A_181 = arith.select %gt3A_177, %broadcast_in_dim3A_180, %select_n3A_165 : vector<16xi1>, vector<16xi32>
      %get3A_182 = arith.constant 6 : i32
      %get3A_183 = arith.index_cast %get3A_182 : i32 to index
      %get3A_184 = arith.index_cast %mul3A_10 : i32 to index
      %get3A_185 = tpu.vector_load %arg5[%get3A_183, %get3A_184] {strides = array<i32>} : memref<8x1024xf32, #tpu.memory_space<vmem>>, vector<1x16xf32>,
      %get3A_186 = vector.shape_cast %get3A_185 : vector<1x16xf32> to vector<16xf32>
      %eq3A_187 = arith.constant 6 : i32
      %eq3A_188 = vector.broadcast %eq3A_187 : i32 to vector<16xi32>
      %eq3A_189 = arith.cmpi eq, %select_n3A_82, %eq3A_188 : vector<16xi32>
      %jit3A_190 = arith.constant -1.000000e+00 : f32
      %broadcast_in_dim3A_191 = vector.broadcast %jit3A_190 : f32 to vector<16xf32>
      %select_n3A_192 = arith.select %eq3A_189, %broadcast_in_dim3A_191, %get3A_186 : vector<16xi1>, vector<16xf32>
      %gt3A_193 = arith.cmpf ogt, %select_n3A_192, %select_n3A_178 : vector<16xf32>
      %select_n3A_194 = arith.select %gt3A_193, %select_n3A_192, %select_n3A_178 : vector<16xi1>, vector<16xf32>
      %jit3A_195 = arith.constant 6 : i32
      %broadcast_in_dim3A_196 = vector.broadcast %jit3A_195 : i32 to vector<16xi32>
      %select_n3A_197 = arith.select %gt3A_193, %broadcast_in_dim3A_196, %select_n3A_181 : vector<16xi1>, vector<16xi32>
      %get3A_198 = arith.constant 7 : i32
      %get3A_199 = arith.index_cast %get3A_198 : i32 to index
      %get3A_200 = arith.index_cast %mul3A_10 : i32 to index
      %get3A_201 = tpu.vector_load %arg5[%get3A_199, %get3A_200] {strides = array<i32>} : memref<8x1024xf32, #tpu.memory_space<vmem>>, vector<1x16xf32>,
      %get3A_202 = vector.shape_cast %get3A_201 : vector<1x16xf32> to vector<16xf32>
      %eq3A_203 = arith.constant 7 : i32
      %eq3A_204 = vector.broadcast %eq3A_203 : i32 to vector<16xi32>
      %eq3A_205 = arith.cmpi eq, %select_n3A_82, %eq3A_204 : vector<16xi32>
      %jit3A_206 = arith.constant -1.000000e+00 : f32
      %broadcast_in_dim3A_207 = vector.broadcast %jit3A_206 : f32 to vector<16xf32>
      %select_n3A_208 = arith.select %eq3A_205, %broadcast_in_dim3A_207, %get3A_202 : vector<16xi1>, vector<16xf32>
      %gt3A_209 = arith.cmpf ogt, %select_n3A_208, %select_n3A_194 : vector<16xf32>
      %select_n3A_210 = arith.select %gt3A_209, %select_n3A_208, %select_n3A_194 : vector<16xi1>, vector<16xf32>
      %jit3A_211 = arith.constant 7 : i32
      %broadcast_in_dim3A_212 = vector.broadcast %jit3A_211 : i32 to vector<16xi32>
      %select_n3A_213 = arith.select %gt3A_209, %broadcast_in_dim3A_212, %select_n3A_197 : vector<16xi1>, vector<16xi32>
      %sub3A = arith.subf %select_n3A_210, %select_n3A_79 : vector<16xf32>
      %exp3A = math.exp %sub3A : vector<16xf32>
      %add3A_214 = arith.constant 1.000000e+00 : f32
      %add3A_215 = vector.broadcast %add3A_214 : f32 to vector<16xf32>
      %add3A_216 = arith.addf %add3A_215, %exp3A : vector<16xf32>
      %div3A = arith.constant 1.000000e+00 : f32
      %div3A_217 = vector.broadcast %div3A : f32 to vector<16xf32>
      %div3A_218 = arith.divf %div3A_217, %add3A_216 : vector<16xf32>
      %swap3A = arith.constant 0 : i32
      %swap3A_219 = arith.index_cast %swap3A : i32 to index
      %swap3A_220 = arith.index_cast %mul3A_10 : i32 to index
      %swap3A_221 = tpu.vector_load %arg6[%swap3A_219, %swap3A_220] {strides = array<i32>} : memref<2x1024xf32, #tpu.memory_space<vmem>>, vector<1x16xf32>,
      %swap3A_222 = vector.shape_cast %swap3A_221 : vector<1x16xf32> to vector<16xf32>
      %swap3A_223 = vector.shape_cast %div3A_218 : vector<16xf32> to vector<1x16xf32>
      tpu.vector_store %arg6[%swap3A_219, %swap3A_220], %swap3A_223 {strides = array<i32>} : memref<2x1024xf32, #tpu.memory_space<vmem>>, vector<1x16xf32>,
      %div3A_224 = arith.divf %exp3A, %add3A_216 : vector<16xf32>
      %swap3A_225 = arith.constant 1 : i32
      %swap3A_226 = arith.index_cast %swap3A_225 : i32 to index
      %swap3A_227 = arith.index_cast %mul3A_10 : i32 to index
      %swap3A_228 = tpu.vector_load %arg6[%swap3A_226, %swap3A_227] {strides = array<i32>} : memref<2x1024xf32, #tpu.memory_space<vmem>>, vector<1x16xf32>,
      %swap3A_229 = vector.shape_cast %swap3A_228 : vector<1x16xf32> to vector<16xf32>
      %swap3A_230 = vector.shape_cast %div3A_224 : vector<16xf32> to vector<1x16xf32>
      tpu.vector_store %arg6[%swap3A_226, %swap3A_227], %swap3A_230 {strides = array<i32>} : memref<2x1024xf32, #tpu.memory_space<vmem>>, vector<1x16xf32>,
      %swap3A_231 = arith.constant 0 : i32
      %swap3A_232 = arith.index_cast %swap3A_231 : i32 to index
      %swap3A_233 = arith.index_cast %mul3A_10 : i32 to index
      %swap3A_234 = tpu.vector_load %arg7[%swap3A_232, %swap3A_233] {strides = array<i32>} : memref<2x1024xi32, #tpu.memory_space<vmem>>, vector<1x16xi32>,
      %swap3A_235 = vector.shape_cast %swap3A_234 : vector<1x16xi32> to vector<16xi32>
      %swap3A_236 = vector.shape_cast %select_n3A_82 : vector<16xi32> to vector<1x16xi32>
      tpu.vector_store %arg7[%swap3A_232, %swap3A_233], %swap3A_236 {strides = array<i32>} : memref<2x1024xi32, #tpu.memory_space<vmem>>, vector<1x16xi32>,
      %swap3A_237 = arith.constant 1 : i32
      %swap3A_238 = arith.index_cast %swap3A_237 : i32 to index
      %swap3A_239 = arith.index_cast %mul3A_10 : i32 to index
      %swap3A_240 = tpu.vector_load %arg7[%swap3A_238, %swap3A_239] {strides = array<i32>} : memref<2x1024xi32, #tpu.memory_space<vmem>>, vector<1x16xi32>,
      %swap3A_241 = vector.shape_cast %swap3A_240 : vector<1x16xi32> to vector<16xi32>
      %swap3A_242 = vector.shape_cast %select_n3A_213 : vector<16xi32> to vector<1x16xi32>
      tpu.vector_store %arg7[%swap3A_238, %swap3A_239], %swap3A_242 {strides = array<i32>} : memref<2x1024xi32, #tpu.memory_space<vmem>>, vector<1x16xi32>,
    }
    %scan3A_7 = arith.constant 64 : i32
    "tpu.region"() ({
      %run_scoped3A = tpu.sem_alloc : memref<!tpu.dma_semaphore, #tpu.memory_space<semaphore_mem>>
      %dma_start3A = arith.constant 0 : i32
      %dma_start3A_8 = tpu.memref_slice %arg3[%dma_start3A, %mul3A_2] : memref<2x32768xf32, #tpu.memory_space<hbm>> -> memref<2x1024xf32, #tpu.memory_space<hbm>>
      %dma_start3A_9 = arith.constant 0 : i32
      %dma_start3A_10 = tpu.memref_slice %arg3[%dma_start3A_9, %mul3A_2] : memref<2x32768xf32, #tpu.memory_space<hbm>> -> memref<2x1024xf32, #tpu.memory_space<hbm>>
      tpu.enqueue_dma source(%arg6 : memref<2x1024xf32, #tpu.memory_space<vmem>>) target(%dma_start3A_10 : memref<2x1024xf32, #tpu.memory_space<hbm>>) target_semaphore(%run_scoped3A : memref<!tpu.dma_semaphore, #tpu.memory_space<semaphore_mem>>)
      %dma_wait3A = arith.constant 0 : i32
      %dma_wait3A_11 = tpu.memref_slice %arg3[%dma_wait3A, %mul3A_2] : memref<2x32768xf32, #tpu.memory_space<hbm>> -> memref<2x1024xf32, #tpu.memory_space<hbm>>
      %dma_wait3A_12 = arith.constant 0 : i32
      %dma_wait3A_13 = tpu.memref_slice %arg3[%dma_wait3A_12, %mul3A_2] : memref<2x32768xf32, #tpu.memory_space<hbm>> -> memref<2x1024xf32, #tpu.memory_space<hbm>>
      tpu.wait_dma2 semaphore(%run_scoped3A : memref<!tpu.dma_semaphore, #tpu.memory_space<semaphore_mem>>) src(%arg6 : memref<2x1024xf32, #tpu.memory_space<vmem>>) dst(%dma_wait3A_13 : memref<2x1024xf32, #tpu.memory_space<hbm>>)
      tpu.yield
    }) : () -> ()
    "tpu.region"() ({
      %run_scoped3A = tpu.sem_alloc : memref<!tpu.dma_semaphore, #tpu.memory_space<semaphore_mem>>
      %dma_start3A = arith.constant 0 : i32
      %dma_start3A_8 = tpu.memref_slice %arg4[%dma_start3A, %mul3A_2] : memref<2x32768xi32, #tpu.memory_space<hbm>> -> memref<2x1024xi32, #tpu.memory_space<hbm>>
      %dma_start3A_9 = arith.constant 0 : i32
      %dma_start3A_10 = tpu.memref_slice %arg4[%dma_start3A_9, %mul3A_2] : memref<2x32768xi32, #tpu.memory_space<hbm>> -> memref<2x1024xi32, #tpu.memory_space<hbm>>
      tpu.enqueue_dma source(%arg7 : memref<2x1024xi32, #tpu.memory_space<vmem>>) target(%dma_start3A_10 : memref<2x1024xi32, #tpu.memory_space<hbm>>) target_semaphore(%run_scoped3A : memref<!tpu.dma_semaphore, #tpu.memory_space<semaphore_mem>>)
      %dma_wait3A = arith.constant 0 : i32
      %dma_wait3A_11 = tpu.memref_slice %arg4[%dma_wait3A, %mul3A_2] : memref<2x32768xi32, #tpu.memory_space<hbm>> -> memref<2x1024xi32, #tpu.memory_space<hbm>>
      %dma_wait3A_12 = arith.constant 0 : i32
      %dma_wait3A_13 = tpu.memref_slice %arg4[%dma_wait3A_12, %mul3A_2] : memref<2x32768xi32, #tpu.memory_space<hbm>> -> memref<2x1024xi32, #tpu.memory_space<hbm>>
      tpu.wait_dma2 semaphore(%run_scoped3A : memref<!tpu.dma_semaphore, #tpu.memory_space<semaphore_mem>>) src(%arg7 : memref<2x1024xi32, #tpu.memory_space<vmem>>) dst(%dma_wait3A_13 : memref<2x1024xi32, #tpu.memory_space<hbm>>)
      tpu.yield
    }) : () -> ()
    return
  }
}

module attributes {stable_mosaic.version = 14 : i64} {
  func.func @_tc_body(%arg0: i32, %arg1: memref<2048x1024xf32, #tpu.memory_space<vmem>>, %arg2: memref<1024x8xf32, #tpu.memory_space<vmem>>, %arg3: memref<1x8xf32, #tpu.memory_space<vmem>>, %arg4: memref<8x2048xf32, #tpu.memory_space<vmem>>, %arg5: memref<8x2048xf32, #tpu.memory_space<vmem>>) attributes {dimension_semantics = [#tpu.dimension_semantics<arbitrary>], iteration_bounds = array<i64: 16>, scalar_prefetch = 0 : i64, scratch_operands = 0 : i64, tpu.core_type = #tpu.core_type<tc>, window_params = [{transform_indices = @transform_0, window_bounds = array<i64: 2048, 1024>}, {pipeline_mode = #tpu.pipeline_mode<synchronous>, transform_indices = @transform_1, window_bounds = array<i64: 1024, 8>}, {pipeline_mode = #tpu.pipeline_mode<synchronous>, transform_indices = @transform_2, window_bounds = array<i64: 1, 8>}, {transform_indices = @transform_3, window_bounds = array<i64: 8, 2048>}, {transform_indices = @transform_4, window_bounds = array<i64: 8, 2048>}]} {
    %get3A = arith.constant 0 : index
    %get3A_0 = arith.constant 0 : index
    %get3A_1 = vector.load %arg1[%get3A, %get3A_0] : memref<2048x1024xf32, #tpu.memory_space<vmem>>, vector<2048x1024xf32>
    %get3A_2 = arith.constant 0 : index
    %get3A_3 = arith.constant 0 : index
    %get3A_4 = vector.load %arg2[%get3A_2, %get3A_3] : memref<1024x8xf32, #tpu.memory_space<vmem>>, vector<1024x8xf32>
    %dot_general3A = arith.constant dense<0.000000e+00> : vector<2048x8xf32>
    %dot_general3A_5 = tpu.matmul %get3A_1, %get3A_4, %dot_general3A {dimension_numbers = #tpu.dot_dimension_numbers<[1], [0], [0], [1], [0, 0, 1, 1], [], []>, transpose_lhs_hint = false} : vector<2048x1024xf32>, vector<1024x8xf32>, vector<2048x8xf32> -> vector<2048x8xf32>
    %get3A_6 = arith.constant 0 : index
    %get3A_7 = arith.constant 0 : index
    %get3A_8 = vector.load %arg3[%get3A_6, %get3A_7] : memref<1x8xf32, #tpu.memory_space<vmem>>, vector<1x8xf32>
    %add3A = vector.broadcast %get3A_8 : vector<1x8xf32> to vector<2048x8xf32>
    %add3A_9 = arith.addf %dot_general3A_5, %add3A : vector<2048x8xf32>
    %transpose3A = tpu.transpose %add3A_9, [1, 0] : vector<2048x8xf32> -> vector<8x2048xf32>
    %swap3A = arith.constant 0 : index
    %swap3A_10 = arith.constant 0 : index
    %swap3A_11 = vector.load %arg4[%swap3A, %swap3A_10] : memref<8x2048xf32, #tpu.memory_space<vmem>>, vector<8x2048xf32>
    tpu.vector_store %arg4[%swap3A, %swap3A_10], %transpose3A {strides = array<i32>} : memref<8x2048xf32, #tpu.memory_space<vmem>>, vector<8x2048xf32>,
    %reduce_max3A = arith.constant dense<0xFF800000> : vector<2048xf32>
    %reduce_max3A_12 = vector.multi_reduction <maximumf>, %transpose3A, %reduce_max3A [0] : vector<8x2048xf32> to vector<2048xf32>
    %broadcast_in_dim3A = vector.shape_cast %reduce_max3A_12 : vector<2048xf32> to vector<1x2048xf32>
    %sub3A = vector.broadcast %broadcast_in_dim3A : vector<1x2048xf32> to vector<8x2048xf32>
    %sub3A_13 = arith.subf %transpose3A, %sub3A : vector<8x2048xf32>
    %exp3A = math.exp %sub3A_13 : vector<8x2048xf32>
    %reduce_sum3A = arith.constant dense<0.000000e+00> : vector<2048xf32>
    %reduce_sum3A_14 = vector.multi_reduction <add>, %exp3A, %reduce_sum3A [0] : vector<8x2048xf32> to vector<2048xf32>
    %broadcast_in_dim3A_15 = vector.shape_cast %reduce_sum3A_14 : vector<2048xf32> to vector<1x2048xf32>
    %div3A = vector.broadcast %broadcast_in_dim3A_15 : vector<1x2048xf32> to vector<8x2048xf32>
    %div3A_16 = arith.divf %exp3A, %div3A : vector<8x2048xf32>
    %swap3A_17 = arith.constant 0 : index
    %swap3A_18 = arith.constant 0 : index
    %swap3A_19 = vector.load %arg5[%swap3A_17, %swap3A_18] : memref<8x2048xf32, #tpu.memory_space<vmem>>, vector<8x2048xf32>
    tpu.vector_store %arg5[%swap3A_17, %swap3A_18], %div3A_16 {strides = array<i32>} : memref<8x2048xf32, #tpu.memory_space<vmem>>, vector<8x2048xf32>,
    return
  }
  func.func @transform_0(%arg0: i32) -> (i32, i32) {
    %c0_i32 = arith.constant 0 : i32
    %c0_i32_0 = arith.constant 0 : i32
    return %arg0, %c0_i32 : i32, i32
  }
  func.func @transform_1(%arg0: i32) -> (i32, i32) {
    %c0_i32 = arith.constant 0 : i32
    %c0_i32_0 = arith.constant 0 : i32
    %c0_i32_1 = arith.constant 0 : i32
    return %c0_i32, %c0_i32_0 : i32, i32
  }
  func.func @transform_2(%arg0: i32) -> (i32, i32) {
    %c0_i32 = arith.constant 0 : i32
    %c0_i32_0 = arith.constant 0 : i32
    %c0_i32_1 = arith.constant 0 : i32
    return %c0_i32, %c0_i32_0 : i32, i32
  }
  func.func @transform_3(%arg0: i32) -> (i32, i32) {
    %c0_i32 = arith.constant 0 : i32
    %c0_i32_0 = arith.constant 0 : i32
    return %c0_i32, %arg0 : i32, i32
  }
  func.func @transform_4(%arg0: i32) -> (i32, i32) {
    %c0_i32 = arith.constant 0 : i32
    %c0_i32_0 = arith.constant 0 : i32
    return %c0_i32, %arg0 : i32, i32
  }
}

</mosaic_0001>

<sc_bundles>
// kernel: kernel.4.cloned.1.call-start
scs
__scs_entry_jumppad:
0x0: {  	(pc) =	sbr.rel $0x88, $3  }
0x1: {  	(tag) =	ssettag $0x0;
	lr =	simm.s32 $0x1  }
0x2: {  	[smem:$0x3F9E] =	sst lr;
	_ =	strace $0xD0000000  }
0x3: {  	_ = 	snop  }
0x4: {  	_ = 	snop  }
0x5: {  	_ = 	snop  }
0x6: {  	_ = 	snop  }
0x7: {  	_ = 	snop  }
__scs_overlays_trampoline_lowered:
0x8: {  	[smem:$0x3FAD] =	sst s0  }
0x9: {  	[smem:$0x3FAE] =	sst s1  }
0xa: {  	[smem:$0x3FAF] =	sst s2  }
0xb: {  	[smem:$0x3FB0] =	sst s3  }
0xc: {  	[smem:$0x3FB1] =	sst s4  }
0xd: {  	[smem:$0x3FB2] =	sst s5  }
0xe: {  	[smem:$0x3FB3] =	sst s6  }
0xf: {  	[smem:$0x3FB4] =	sst s7  }
0x10: {  	[smem:$0x3FB5] =	sst s8  }
0x11: {  	[smem:$0x3FB6] =	sst s9;
	s0 =	simm.s32 @!p0 $0x0  }
0x12: {  	s1 =	sld [smem:$0x3F9C];
	s0 =	simm.s32 @p0 $0x1  }
0x13: {  	[smem:$0x3FB7] =	sst s0;
	s0 =	simm.s32 @!p1 $0x0  }
0x14: {  	s2 =	sld [smem:$0x3F9B];
	s0 =	simm.s32 @p1 $0x1  }
0x15: {  	[smem:$0x3FB8] =	sst s0;
	s0 =	simm.s32 @!p2 $0x0  }
0x16: {  	s3 =	sld [smem:$0x3FDB];
	s0 =	simm.s32 @p2 $0x1  }
0x17: {  	s4 =	simm.s32 $0x1BF5;
	[smem:$0x3FBA] =	sst s0  }
0x18: {  	s0 =	sld [smem:$0x3F9D];
	_ =	swait.ge [sflag:s4], $0x0  }
0x19: {  	s7 =	sld [smem:$0x3F9E]  }
0x1a: {  	s8 =	sadd.s32 $0xFFFFE003, lr  }
0x1b: {  	s9 =	sadd.s32 $0xFFFFFEF7, lr;
	s5 =	simm.s32 $0xFFFFFFFF;
	p2 =	slt.u32 s8, $0xFFFFF086  }
0x1c: {  	p1 =	slt.u32 s9, $0xF7A;
	s5 =	simm.s32 @!p2 $0x0  }
0x1d: {  	s5 =	simm.s32 @p1 $0x1;
	p0 =	seq.s32 s7, s2  }
0x1e: {  	s7 =	smul.u32 @!p0 $0xF7A, s2;
	p2 =	seq.s32 @!p0 s5, $0x0  }
0x1f: {  	s9 =	smul.u32 $0xF7A, s1;
	s8 =	simm.s32 @!p0 $0x1BF5;
	p2 =	por !p2, p0  }
0x20: {  	[sflag:s8] =	ssyncset.s32 @!p0 $0xFFFFF086;
	s6 =	sadd.s32 @!p0 s3, s7;
	s7 =	simm.s32 @!p0 $0x108  }
0x21: {  	s3 =	sadd.s32 s3, s9;
	s6 =	sadd.s32 @!p0 $0x88, s6;
	s7 =	simm.s32 @p2 $0x1082  }
0x22: {  	[simem:s7], [sflag:s8] =	dma.local @!p0 [hbm:s6], $0xF7A  }
0x23: {  	s9 =	sor.u32 $0xD0000000, s2;
	s6 =	simm.s32 $0x108;
	_ =	swait.ge @!p0 [sflag:s8], $0x0  }
0x24: {  	s3 =	sadd.s32 $0x88, s3;
	s6 =	simm.s32 @!p1 $0x1082;
	[sflag:s4] =	ssyncset.s32 $0xFFFFF086  }
0x25: {  	[simem:s6], [sflag:s4] =	dma.local [hbm:s3], $0xF7A  }
0x26: {  	[smem:$0x3F9E] =	sst s1;
	(tag) =	ssettag s2;
	_ =	strace s9  }
0x27: {  	s1 =	sld [smem:$0x3FAE]  }
0x28: {  	s2 =	sld [smem:$0x3FAF]  }
0x29: {  	s4 =	sld [smem:$0x3FB1]  }
0x2a: {  	p0 =	seq.s32 s5, $0x0;
	s5 =	sld [smem:$0x3FB2]  }
0x2b: {  	s6 =	sld [smem:$0x3FB3]  }
0x2c: {  	s7 =	sld [smem:$0x3FB4]  }
0x2d: {  	s3 =	simm.s32 $0x108;
	s8 =	sld [smem:$0x3FB5]  }
0x2e: {  	s3 =	simm.s32 @!p0 $0x1082;
	s9 =	sld [smem:$0x3FB6]  }
0x2f: {  	lr =	sadd.s32 s0, s3;
	s0 =	sld [smem:$0x3FAD]  }
0x30: {  	s3 =	sld [smem:$0x3FB0]  }
0x31: {  	[smem:$0x3FB9] =	sst s10  }
0x32: {  	s10 =	sld [smem:$0x3FB7];
	_ =	sdelay $0x3  }
0x33: {  	p0 =	seq.s32 s10, $0x1;
	s10 =	sld [smem:$0x3FB9];
	_ =	sdelay $0x3  }
0x34: {  	[smem:$0x3FB9] =	sst s10  }
0x35: {  	s10 =	sld [smem:$0x3FB8];
	_ =	sdelay $0x3  }
0x36: {  	p1 =	seq.s32 s10, $0x1;
	s10 =	sld [smem:$0x3FB9];
	_ =	sdelay $0x3  }
0x37: {  	[smem:$0x3FB9] =	sst s10  }
0x38: {  	s10 =	sld [smem:$0x3FBA]  }
0x39: {  	_ = 	snop;
	(pc) =	sbr.ind lr, $3  }
0x3a: {  	_ = 	snop  }
0x3b: {  	_ = 	snop  }
0x3c: {  	p2 =	seq.s32 s10, $0x1;
	s10 =	sld [smem:$0x3FB9]  }
0x3d: {  	_ =	shalt  }
0x3e: {  	_ =	shalt  }
0x3f: {  	_ =	shalt  }
0x40: {  	_ =	shalt  }
0x41: {  	_ =	shalt  }
0x42: {  	_ =	shalt  }
0x43: {  	_ =	shalt  }
0x44: {  	_ =	shalt  }
0x45: {  	_ =	shalt  }
0x46: {  	_ =	shalt  }
0x47: {  	_ =	shalt  }
0x48: {  	_ =	shalt  }
0x49: {  	_ =	shalt  }
0x4a: {  	_ =	shalt  }
0x4b: {  	_ =	shalt  }
0x4c: {  	_ =	shalt  }
0x4d: {  	_ =	shalt  }
0x4e: {  	_ =	shalt  }
0x4f: {  	_ =	shalt  }
0x50: {  	_ =	shalt  }
0x51: {  	_ =	shalt  }
0x52: {  	_ =	shalt  }
0x53: {  	_ =	shalt  }
0x54: {  	_ =	shalt  }
0x55: {  	_ =	shalt  }
0x56: {  	_ =	shalt  }
0x57: {  	_ =	shalt  }
0x58: {  	_ =	shalt  }
0x59: {  	_ =	shalt  }
0x5a: {  	_ =	shalt  }
0x5b: {  	_ =	shalt  }
0x5c: {  	_ =	shalt  }
0x5d: {  	_ =	shalt  }
0x5e: {  	_ =	shalt  }
0x5f: {  	_ =	shalt  }
0x60: {  	_ =	shalt  }
0x61: {  	_ =	shalt  }
0x62: {  	_ =	shalt  }
0x63: {  	_ =	shalt  }
0x64: {  	_ =	shalt  }
0x65: {  	_ =	shalt  }
0x66: {  	_ =	shalt  }
0x67: {  	_ =	shalt  }
0x68: {  	_ =	shalt  }
0x69: {  	_ =	shalt  }
0x6a: {  	_ =	shalt  }
0x6b: {  	_ =	shalt  }
0x6c: {  	_ =	shalt  }
0x6d: {  	_ =	shalt  }
0x6e: {  	_ =	shalt  }
0x6f: {  	_ =	shalt  }
0x70: {  	_ =	shalt  }
0x71: {  	_ =	shalt  }
0x72: {  	_ =	shalt  }
0x73: {  	_ =	shalt  }
0x74: {  	_ =	shalt  }
0x75: {  	_ =	shalt  }
0x76: {  	_ =	shalt  }
0x77: {  	_ =	shalt  }
0x78: {  	_ =	shalt  }
0x79: {  	_ =	shalt  }
0x7a: {  	_ =	shalt  }
0x7b: {  	_ =	shalt  }
0x7c: {  	_ =	shalt  }
0x7d: {  	_ =	shalt  }
0x7e: {  	_ =	shalt  }
0x7f: {  	_ =	shalt  }
0x80: {  	_ =	shalt  }
0x81: {  	_ =	shalt  }
0x82: {  	_ =	shalt  }
0x83: {  	_ =	shalt  }
0x84: {  	_ =	shalt  }
0x85: {  	_ =	shalt  }
0x86: {  	_ =	shalt  }
0x87: {  	_ =	shalt  }
.Lfunc_end0:
.L_simem_size_0:
called_computation_lowered:
.L_overlay_start_0:
0x88: {  	s2 =	sld [smem:$0x3FD9]  }
0x89: {  	s3 =	sld [smem:$0x3FFE];
	_ =	sdelay $0x1  }
0x8a: {  	s1 =	srdreg.scid  }
0x8b: {  	s0 =	sand.u32 $0x1, s1  }
0x8c: {  	s15 =	sshll.u32 s0, $0xA;
	s2 =	sadd.s32 s3, s2  }
0x8d: {  	s2 =	sadd.s32 s2, s15  }
0x8e: {  	[smem:$0x3FC5] =	sst s2  }
0x8f: {  	_ = 	snop  }
0x90: {  	s2 =	sld [smem:$0x3FD0];
	_ =	sdelay $0x2  }
0x91: {  	s16 =	simm.s32 $0xA;
	s4 =	simm.s32 $0x10  }
0x92: {  	[smem:s4], [sflag:s16] =	dma.local [hbm:s2], $0x1  }
0x93: {  	_ =	swait.eq [sflag:s16], $0x1  }
0x94: {  	s17 =	sld [smem:$0x11];
	[sflag:s16] =	ssyncset.done $0x0  }
0x95: {  	s18 =	sld [smem:$0x12];
	[sflag:s16] =	ssyncadd.s32 $0xFFFFFFFF  }
0x96: {  	s19 =	sld [smem:$0x13];
	(tm) =	ssettm $0x1  }
0x97: {  	s5 =	sld [smem:$0x3FFB];
	_ =	sdelay $0x3  }
0x98: {  	_ =	strace s5  }
0x99: {  	s5 =	sld [smem:$0x3FFC];
	_ =	sdelay $0x3  }
0x9a: {  	_ =	strace s5  }
0x9b: {  	s5 =	sld [smem:$0x3FFD];
	_ =	sdelay $0x3  }
0x9c: {  	_ =	strace s5  }
0x9d: {  	_ =	strace $0x8FFFFFFF  }
0x9e: {  	s20 =	sld [smem:$0x3FDB];
	_ =	sdelay $0x1  }
0x9f: {  	s6 =	simm.s32 $_scs_section_size  }
0xa0: {  	s7 =	simm.s32 $_size__tile_overlayer_lowered;
	s8 =	simm.s32 $_tile_overlayer_lowered  }
0xa1: {  	s23 =	simm.s32 $0x1BFF;
	s22 =	sshll.u32 s8, $0x1;
	s5 =	sadd.s32 s6, s20  }
0xa2: {  	s9 =	simm.s32 $0x0;
	s21 =	sshll.u32 s7, $0x1;
	s7 =	sadd.s32 s22, s5  }
0xa3: {  	[timem:s9], [sflag:s23] =	dma.local [hbm:s7], s21  }
0xa4: {  	_ =	swait.ge [sflag:s23], s21  }
0xa5: {  	s6 =	ssub.s32 $0x0, s21;
	[sflag:s23] =	ssyncset.done $0x0  }
0xa6: {  	[sflag:s23] =	ssyncadd.s32 s6;
	_ =	sdelay $0x1  }
0xa7: {  	s24 =	simm.s32 $0x1B8B  }
0xa8: {  	_ =	swait.ge [sflag:s24], $0x1  }
0xa9: {  	[sflag:s24] =	ssyncset.done $0x0  }
0xaa: {  	s25 =	simm.s32 $0x1B8E;
	[sflag:s24] =	ssyncadd.s32 $0xFFFFFFFF  }
0xab: {  	s26 =	simm.s32 $execute0_lowered;
	[smem:$0x3FD2] =	sst s25  }
0xac: {  	s6 =	sshll.u32 s26, $0x1;
	_ =	strace $0x80000046;
	[dreg:$0x1] =	wrdreg $0xFFFFFFFF  }
0xad: {  	s28 =	simm.s32 $_size_execute0_lowered;
	s5 =	sadd.s32 s5, s6;
	[dreg:$0x0] =	wrdreg $0x0  }
0xae: {  	s6 =	sshll.u32 s28, $0x1;
	[dreg:$0x2] =	wrdreg s5  }
0xaf: {  	[dreg:$0x3] =	wrdreg s6  }
0xb0: {  	[dreg:$0x4] =	wrdreg $0xC0  }
0xb1: {  	_ =	task [dreg:s9], $0x5FFFF  }
0xb2: {  	[dreg:$0x1] =	wrdreg $0xFFFFFFFF  }
0xb3: {  	[dreg:$0x0] =	wrdreg $0x60  }
0xb4: {  	[dreg:$0x2] =	wrdreg s17  }
0xb5: {  	[dreg:$0x3] =	wrdreg s18  }
0xb6: {  	[dreg:$0x4] =	wrdreg s19  }
0xb7: {  	[dreg:$0x5] =	wrdreg $0x9  }
0xb8: {  	_ =	task.clear_ibuf [dreg:s9], $0x6FFFF;
	_ =	strace $0x90000046  }
0xb9: {  	s29 =	simm.s32 $0x9;
	_ =	strace $0x80000048  }
0xba: {  	_ =	swait.ge [sflag:s29], $0x1  }
0xbb: {  	[sflag:s29] =	ssyncadd.s32 $0xFFFFFFFF  }
0xbc: {  	_ =	strace $0x90000048  }
0xbd: {  	_ =	sfence  }
0xbe: {  	s30 =	sld [smem:$0x0];
	_ =	sdelay $0x2  }
0xbf: {  	s31 =	sshll.u32 s1, $0xD;
	s1 =	sshrl.u32 s1, $0x2  }
0xc0: {  	s3 =	sand.u32 $0x4000, s31;
	s1 =	sadd.s32 s1, s30  }
0xc1: {  	s0 =	sor.u32 s3, s0;
	s1 =	sshll.u32 s1, $0x11  }
0xc2: {  	s0 =	sor.u32 s1, s0  }
0xc3: {  	s0 =	sadd.s32 $0x8F2B, s0  }
0xc4: {  	[sflag:s0] =	ssyncadd.remote.s32 $0x1  }
0xc5: {  	_ =	sfence.sel $0xFFFF  }
0xc6: {  	[dreg:$0x0] =	wrdreg $0xFFFFFFFF;
	(pc) =	sbr.abs _section_cstart, $3  }
0xc7: {  	[dreg:$0x1] =	wrdreg $0xFFFFFFFF  }
0xc8: {  	_ =	task.clear_ibuf [dreg:s9], $0x2FFFF;
	_ =	strace $0x9FFFFFFF  }
0xc9: {  	(tm) =	ssettm $0x7FFFFFFF  }
tec
execute0_lowered:
.L_overlay_start_1:
0x0: {  	(tag) =	ssettag $0x1  }
0x1: {  	s3 =	rddreg [dreg:$0x0]  }
0x2: {  	s4 =	rddreg [dreg:$0x1]  }
0x3: {  	s5 =	rddreg [dreg:$0x2];
	s2 =	srdreg.scid  }
0x4: {  	s0 =	rddreg [dreg:$0x3];
	s1 =	stileid.u32;
	s10 =	simm.s32 $0x0  }
0x5: {  	s6 =	sand.u32 $0x1, s2;
	s2 =	simm.s32 $0x0;
	s7 =	sshll.u32 s1, $0xB  }
0x6: {  	s8 =	sshll.u32 s6, $0xA;
	[smem:$0x7FF] =	sst s2;
	s6 =	ssub.s32 $0x2, s6  }
0x7: {  	s7 =	sor.u32 s8, s7;
	_ =	strace $0x80000047;
	s31 =	sshrl.u32 s6, $0x1  }
0x8: {  	s8 =	simm.s32 $0x2000;
	s9 =	sshrl.u32 s7, $0x2;
	s6 =	ssub.s32 s6, s31  }
0x9: {  	s3 =	sadd.s32 s3, s7;
	s7 =	simm.s32 $0x1;
	s4 =	sadd.s32 s4, s9  }
0xa: {  	v0 =	vimm.s32 $0x0;
	s5 =	sadd.s32 s5, s9;
	s6 =	smax.u32 s6, $0x1;
	s9 =	simm.s32 $0x2800  }
.LBB2_1:
0xb: {  	[tilespmem:s2], [sflag:$0x1] =	stream.linear.gather [hbm4b:s3+s2], $0x2000, $0x38;
	[tilespmem:$0x3000] =	vst v63  }
0xc: {  	s12 =	simm.s32 $0x0;
	_ =	swait.ge [sflag:s7], $0x2000  }
0xd: {  	s11 =	sand.u32 $0x70, s2;
	s12 =	sand.u32 $0x3FFFFC00, s12;
	[sflag:s7] =	ssyncset.done $0x0  }
0xe: {  	s12 =	sor.u32 s11, s12;
	[sflag:s7] =	ssyncadd.s32 $0xFFFFE000  }
0xf: {  	v1 =	vld [tilespmem:s12+$0x0]  }
0x10: {  	v2 =	vld [tilespmem:s12+$0x80];
	_ =	sdelay $0x1  }
0x11: {  	v3 =	vld [tilespmem:s12+$0x100];
	_ =	sdelay $0x1  }
0x12: {  	v4 =	vld [tilespmem:s12+$0x180]  }
0x13: {  	vm0 =	vgt.f32 v2, v1  }
0x14: {  	v5 =	vld [tilespmem:s12+$0x200];
	v6 =	vsel vm0, v2, v1  }
0x15: {  	vm1 =	vgt.f32 v3, v6  }
0x16: {  	v7 =	vld [tilespmem:s12+$0x280];
	v6 =	vsel vm1, v3, v6  }
0x17: {  	vm2 =	vgt.f32 v4, v6  }
0x18: {  	v8 =	vld [tilespmem:s12+$0x300];
	v6 =	vsel vm2, v4, v6  }
0x19: {  	vm3 =	vgt.f32 v5, v6  }
0x1a: {  	v9 =	vld [tilespmem:s12+$0x380];
	v6 =	vsel vm3, v5, v6  }
0x1b: {  	v10 =	vsel vm0, $0x1, v0;
	vm7 =	vgt.f32 v7, v6  }
0x1c: {  	v10 =	vsel vm1, $0x2, v10;
	v6 =	vsel vm7, v7, v6  }
0x1d: {  	v10 =	vsel vm2, $0x3, v10;
	vm1 =	vgt.f32 v8, v6  }
0x1e: {  	v10 =	vsel vm3, $0x4, v10;
	v6 =	vsel vm1, v8, v6  }
0x1f: {  	v10 =	vsel vm7, $0x5, v10;
	vm8 =	vgt.f32 v9, v6  }
0x20: {  	v10 =	vsel vm1, $0x6, v10;
	vm0 =	vmneg vm8  }
0x21: {  	v10 =	vnsel vm0, $0x7, v10  }
0x22: {  	vm9 =	veq.s32 v10, $0x0  }
0x23: {  	v1 =	vsel vm9, $0xBF800000, v1  }
0x24: {  	vm10 =	veq.s32 v10, $0x1;
	vm11 =	vgt.f32 v1, $-1.000000000e+00  }
0x25: {  	v2 =	vsel vm10, $0xBF800000, v2;
	v1 =	vnsel vm11, $0xBF800000, v1  }
0x26: {  	vm12 =	veq.s32 v10, $0x2;
	vm3 =	vgt.f32 v2, v1  }
0x27: {  	v3 =	vsel vm12, $0xBF800000, v3;
	v1 =	vsel vm3, v2, v1  }
0x28: {  	vm13 =	veq.s32 v10, $0x3;
	vm4 =	vgt.f32 v3, v1  }
0x29: {  	v2 =	vsel vm13, $0xBF800000, v4;
	v1 =	vsel vm4, v3, v1  }
0x2a: {  	vm14 =	veq.s32 v10, $0x4;
	vm5 =	vgt.f32 v2, v1  }
0x2b: {  	v3 =	vsel vm14, $0xBF800000, v5;
	v1 =	vsel vm5, v2, v1  }
0x2c: {  	vm15 =	veq.s32 v10, $0x5;
	vm6 =	vgt.f32 v3, v1  }
0x2d: {  	v2 =	vsel vm15, $0xBF800000, v7;
	v1 =	vsel vm6, v3, v1  }
0x2e: {  	vm1 =	vmand vm1, vm0;
	vm2 =	vgt.f32 v2, v1  }
0x2f: {  	v3 =	vsel vm1, $0xBF800000, v8;
	v1 =	vsel vm2, v2, v1  }
0x30: {  	vm1 =	vgt.f32 v3, v1  }
0x31: {  	v2 =	vnsel vm0, $0xBF800000, v9;
	v1 =	vsel vm1, v3, v1  }
0x32: {  	vm7 =	vgt.f32 v2, v1  }
0x33: {  	v3 =	vsel vm0, v6, v9;
	v1 =	vsel vm7, v2, v1  }
0x34: {  	v1 =	vsub.f32 v1, v3;
	_ =	sdelay $0x1  }
0x35: {  	v1 =	vmul.f32 $1.442695020e+00, v1;
	_ =	sdelay $0x1  }
0x36: {  	(erf) = vpow2.f32 v1;
	_ =	sdelay $0x8  }
0x37: {  	v1 =	vpop (erf)  }
0x38: {  	v2 =	vadd.f32 $1.000000000e+00, v1;
	_ =	sdelay $0x1  }
0x39: {  	(erf) = vrcp.f32 v2;
	v2 =	vsel vm3, $0x1, v0  }
0x3a: {  	v2 =	vsel vm4, $0x2, v2  }
0x3b: {  	v2 =	vsel vm5, $0x3, v2  }
0x3c: {  	v2 =	vsel vm6, $0x4, v2  }
0x3d: {  	v2 =	vsel vm2, $0x5, v2  }
0x3e: {  	s30 =	simm.s32 $0x0;
	v2 =	vsel vm1, $0x6, v2  }
0x3f: {  	s12 =	sand.u32 $0xFFFFFF00, s30;
	v2 =	vsel vm7, $0x7, v2  }
0x40: {  	s15 =	sor.u32 s11, s12  }
0x41: {  	[tilespmem:s15+$0x2800] =	vst v10  }
0x42: {  	s31 =	simm.s32 $0x10;
	s18 =	simm.s32 $0x2;
	s17 =	simm.s32 $0x80;
	[tilespmem:s15+$0x2880] =	vst v2;
	v2 =	vpop (erf)  }
0x43: {  	s13 =	simm.s32 $0x20;
	s12 =	simm.s32 $0x1;
	s11 =	sand.u32 $0x70, s31;
	[tilespmem:s15+$0x2000] =	vst v2;
	v1 =	vmul.f32 v2, v1  }
.LBB2_2:
0x44: {  	s16 =	sand.u32 $0x70, s13  }
0x45: {  	s17 =	sand.u32 $0x3FFFFC00, s17;
	s19 =	smov.u32 s18;
	s14 =	sadd.s32 $0x1, s18  }
0x46: {  	p0 =	sne.s32 s18, $0x3F;
	s17 =	sor.u32 s11, s17;
	[tilespmem:s15+$0x2080] =	vst v1  }
0x47: {  	v1 =	vld [tilespmem:s17+$0x0]  }
0x48: {  	v2 =	vld [tilespmem:s17+$0x80]  }
0x49: {  	v3 =	vld [tilespmem:s17+$0x100];
	_ =	sdelay $0x1  }
0x4a: {  	v4 =	vld [tilespmem:s17+$0x180];
	_ =	sdelay $0x1  }
0x4b: {  	vm0 =	vgt.f32 v2, v1;
	v5 =	vld [tilespmem:s17+$0x200]  }
0x4c: {  	v6 =	vsel vm0, v2, v1  }
0x4d: {  	vm1 =	vgt.f32 v3, v6;
	v7 =	vld [tilespmem:s17+$0x280]  }
0x4e: {  	v6 =	vsel vm1, v3, v6  }
0x4f: {  	vm2 =	vgt.f32 v4, v6;
	v8 =	vld [tilespmem:s17+$0x300]  }
0x50: {  	v6 =	vsel vm2, v4, v6  }
0x51: {  	vm3 =	vgt.f32 v5, v6;
	v9 =	vld [tilespmem:s17+$0x380]  }
0x52: {  	v10 =	vsel vm0, $0x1, v0;
	v6 =	vsel vm3, v5, v6  }
0x53: {  	v10 =	vsel vm1, $0x2, v10;
	vm0 =	vgt.f32 v7, v6  }
0x54: {  	v10 =	vsel vm2, $0x3, v10;
	v6 =	vsel vm0, v7, v6  }
0x55: {  	v10 =	vsel vm3, $0x4, v10;
	vm1 =	vgt.f32 v8, v6  }
0x56: {  	v10 =	vsel vm0, $0x5, v10;
	v6 =	vsel vm1, v8, v6  }
0x57: {  	s15 =	sshll.u32 s12, $0x5;
	s12 =	smov.u32 s19;
	v10 =	vsel vm1, $0x6, v10;
	vm0 =	vgt.f32 v9, v6  }
0x58: {  	s15 =	sand.u32 $0xFFFFFF00, s15;
	vm0 =	vmneg vm0  }
0x59: {  	s15 =	sor.u32 s11, s15;
	s11 =	smov.u32 s16;
	v6 =	vsel vm0, v6, v9;
	v10 =	vnsel vm0, $0x7, v10;
	vm1 =	vmand vm1, vm0  }
0x5a: {  	vm2 =	veq.s32 v10, $0x0;
	vm3 =	veq.s32 v10, $0x1;
	vm4 =	veq.s32 v10, $0x2;
	[tilespmem:s15+$0x2800] =	vst v10  }
0x5b: {  	vm5 =	veq.s32 v10, $0x4;
	v1 =	vsel vm2, $0xBF800000, v1;
	vm2 =	veq.s32 v10, $0x3  }
0x5c: {  	v2 =	vsel vm3, $0xBF800000, v2;
	vm3 =	veq.s32 v10, $0x5;
	vm6 =	vgt.f32 v1, $-1.000000000e+00  }
0x5d: {  	v1 =	vnsel vm6, $0xBF800000, v1  }
0x5e: {  	v3 =	vsel vm4, $0xBF800000, v3;
	vm6 =	vgt.f32 v2, v1  }
0x5f: {  	v1 =	vsel vm6, v2, v1  }
0x60: {  	v4 =	vsel vm2, $0xBF800000, v4;
	v2 =	vsel vm6, $0x1, v0;
	vm4 =	vgt.f32 v3, v1  }
0x61: {  	v1 =	vsel vm4, v3, v1;
	v2 =	vsel vm4, $0x2, v2  }
0x62: {  	v3 =	vsel vm5, $0xBF800000, v5;
	vm2 =	vgt.f32 v4, v1  }
0x63: {  	v1 =	vsel vm2, v4, v1;
	v2 =	vsel vm2, $0x3, v2  }
0x64: {  	v4 =	vsel vm3, $0xBF800000, v7;
	vm2 =	vgt.f32 v3, v1  }
0x65: {  	v1 =	vsel vm2, v3, v1  }
0x66: {  	v3 =	vsel vm1, $0xBF800000, v8;
	vm3 =	vgt.f32 v4, v1  }
0x67: {  	v1 =	vsel vm3, v4, v1  }
0x68: {  	v2 =	vsel vm2, $0x4, v2;
	v4 =	vnsel vm0, $0xBF800000, v9;
	vm1 =	vgt.f32 v3, v1  }
0x69: {  	v2 =	vsel vm3, $0x5, v2;
	v1 =	vsel vm1, v3, v1  }
0x6a: {  	v2 =	vsel vm1, $0x6, v2;
	vm0 =	vgt.f32 v4, v1  }
0x6b: {  	v1 =	vsel vm0, v4, v1;
	v2 =	vsel vm0, $0x7, v2  }
0x6c: {  	v1 =	vsub.f32 v1, v6;
	[tilespmem:s15+$0x2880] =	vst v2;
	_ =	sdelay $0x1  }
0x6d: {  	v1 =	vmul.f32 $1.442695020e+00, v1;
	_ =	sdelay $0x1  }
0x6e: {  	(erf) = vpow2.f32 v1;
	_ =	sdelay $0x8  }
0x6f: {  	v1 =	vpop (erf)  }
0x70: {  	v2 =	vadd.f32 $1.000000000e+00, v1;
	_ =	sdelay $0x1  }
0x71: {  	(erf) = vrcp.f32 v2;
	_ =	sdelay $0x5  }
.Ltmp0:
0x72: {  	(pc) =	sbr.rel @p0 .LBB2_2-.Ltmp0, $3  }
0x73: {  	_ =	sdelay $0x1  }
0x74: {  	v2 =	vpop (erf)  }
0x75: {  	s13 =	sadd.s32 $0x10, s13;
	s18 =	smov.u32 s14;
	s17 =	sshll.u32 s12, $0x7;
	[tilespmem:s15+$0x2000] =	vst v2;
	v1 =	vmul.f32 v2, v1  }
0x76: {  	s13 =	sand.u32 $0x3FFFFC00, s17  }
0x77: {  	s13 =	sor.u32 s11, s13;
	[tilespmem:s15+$0x2080] =	vst v1  }
0x78: {  	v1 =	vld [tilespmem:s13+$0x0]  }
0x79: {  	v2 =	vld [tilespmem:s13+$0x80];
	_ =	sdelay $0x1  }
0x7a: {  	v3 =	vld [tilespmem:s13+$0x100];
	_ =	sdelay $0x1  }
0x7b: {  	v4 =	vld [tilespmem:s13+$0x180]  }
0x7c: {  	vm0 =	vgt.f32 v2, v1  }
0x7d: {  	v5 =	vld [tilespmem:s13+$0x200];
	v6 =	vsel vm0, v2, v1  }
0x7e: {  	vm1 =	vgt.f32 v3, v6  }
0x7f: {  	v7 =	vld [tilespmem:s13+$0x280];
	v6 =	vsel vm1, v3, v6  }
0x80: {  	vm2 =	vgt.f32 v4, v6  }
0x81: {  	v8 =	vld [tilespmem:s13+$0x300];
	v6 =	vsel vm2, v4, v6  }
0x82: {  	vm3 =	vgt.f32 v5, v6  }
0x83: {  	v9 =	vld [tilespmem:s13+$0x380];
	v6 =	vsel vm3, v5, v6  }
0x84: {  	v10 =	vsel vm0, $0x1, v0;
	vm7 =	vgt.f32 v7, v6  }
0x85: {  	v10 =	vsel vm1, $0x2, v10;
	v6 =	vsel vm7, v7, v6  }
0x86: {  	v10 =	vsel vm2, $0x3, v10;
	vm1 =	vgt.f32 v8, v6  }
0x87: {  	v10 =	vsel vm3, $0x4, v10;
	v6 =	vsel vm1, v8, v6  }
0x88: {  	v10 =	vsel vm7, $0x5, v10;
	vm8 =	vgt.f32 v9, v6  }
0x89: {  	v10 =	vsel vm1, $0x6, v10;
	vm0 =	vmneg vm8  }
0x8a: {  	v10 =	vnsel vm0, $0x7, v10  }
0x8b: {  	vm9 =	veq.s32 v10, $0x0  }
0x8c: {  	v1 =	vsel vm9, $0xBF800000, v1  }
0x8d: {  	vm10 =	veq.s32 v10, $0x1;
	vm11 =	vgt.f32 v1, $-1.000000000e+00  }
0x8e: {  	v2 =	vsel vm10, $0xBF800000, v2;
	v1 =	vnsel vm11, $0xBF800000, v1  }
0x8f: {  	vm12 =	veq.s32 v10, $0x2;
	vm3 =	vgt.f32 v2, v1  }
0x90: {  	v3 =	vsel vm12, $0xBF800000, v3;
	v1 =	vsel vm3, v2, v1  }
0x91: {  	vm13 =	veq.s32 v10, $0x3;
	vm4 =	vgt.f32 v3, v1  }
0x92: {  	v2 =	vsel vm13, $0xBF800000, v4;
	v1 =	vsel vm4, v3, v1  }
0x93: {  	vm14 =	veq.s32 v10, $0x4;
	vm5 =	vgt.f32 v2, v1  }
0x94: {  	v3 =	vsel vm14, $0xBF800000, v5;
	v1 =	vsel vm5, v2, v1  }
0x95: {  	vm15 =	veq.s32 v10, $0x5;
	vm6 =	vgt.f32 v3, v1  }
0x96: {  	v2 =	vsel vm15, $0xBF800000, v7;
	v1 =	vsel vm6, v3, v1  }
0x97: {  	vm1 =	vmand vm1, vm0;
	vm2 =	vgt.f32 v2, v1  }
0x98: {  	v3 =	vsel vm1, $0xBF800000, v8;
	v1 =	vsel vm2, v2, v1  }
0x99: {  	vm1 =	vgt.f32 v3, v1  }
0x9a: {  	v2 =	vnsel vm0, $0xBF800000, v9;
	v1 =	vsel vm1, v3, v1  }
0x9b: {  	vm7 =	vgt.f32 v2, v1  }
0x9c: {  	v3 =	vsel vm0, v6, v9;
	v1 =	vsel vm7, v2, v1  }
0x9d: {  	v1 =	vsub.f32 v1, v3;
	_ =	sdelay $0x1  }
0x9e: {  	v1 =	vmul.f32 $1.442695020e+00, v1;
	_ =	sdelay $0x1  }
0x9f: {  	(erf) = vpow2.f32 v1;
	_ =	sdelay $0x8  }
0xa0: {  	v1 =	vpop (erf)  }
0xa1: {  	v2 =	vadd.f32 $1.000000000e+00, v1;
	_ =	sdelay $0x1  }
0xa2: {  	(erf) = vrcp.f32 v2;
	_ =	sdelay $0x2  }
0xa3: {  	v2 =	vsel vm3, $0x1, v0  }
0xa4: {  	v2 =	vsel vm4, $0x2, v2  }
0xa5: {  	v2 =	vsel vm5, $0x3, v2  }
0xa6: {  	s12 =	sshll.u32 s12, $0x5;
	v2 =	vsel vm6, $0x4, v2  }
0xa7: {  	s12 =	sand.u32 $0xFFFFFF00, s12;
	v2 =	vsel vm2, $0x5, v2  }
0xa8: {  	s31 =	sor.u32 s11, s12;
	v2 =	vsel vm1, $0x6, v2  }
0xa9: {  	[tilespmem:s31+$0x2800] =	vst v10;
	v2 =	vsel vm7, $0x7, v2;
	v3 =	vpop (erf)  }
0xaa: {  	[tilespmem:s31+$0x2880] =	vst v2;
	v1 =	vmul.f32 v3, v1  }
0xab: {  	[tilespmem:s31+$0x2000] =	vst v3  }
0xac: {  	[tilespmem:s31+$0x2080] =	vst v1  }
0xad: {  	[hbm4b:s4+s2] =	stream.linear.scatter [tilespmem:s8], [sflag:$0x1], $0x800, $0x38;
	[tilespmem:$0x3000] =	vst v63  }
0xae: {  	s10 =	sadd.s32 $0x1, s10;
	_ =	swait.ge [sflag:s7], $0x800  }
0xaf: {  	p0 =	sne.s32 s10, s6;
	[sflag:s7] =	ssyncset.done $0x0  }
.Ltmp1:
0xb0: {  	[sflag:s7] =	ssyncadd.s32 $0xFFFFF800;
	(pc) =	sbr.rel @p0 .LBB2_1-.Ltmp1, $4  }
0xb1: {  	[hbm4b:s5+s2] =	stream.linear.scatter [tilespmem:s9], [sflag:$0x1], $0x800, $0x38;
	[tilespmem:$0x3000] =	vst v63  }
0xb2: {  	_ =	swait.ge [sflag:s7], $0x800  }
0xb3: {  	[sflag:s7] =	ssyncset.done $0x0  }
0xb4: {  	[sflag:s7] =	ssyncadd.s32 $0xFFFFF800  }
0xb5: {  	_ =	sfence.sel $0x180000  }
0xb6: {  	[bflag:$0x0] =	sbarrier.arrive $0xFFFF  }
0xb7: {  	p0 =	sne.s32 s1, $0x0;
	_ =	strace $0x90000047  }
0xb8: {  	s0 =	sadd.s32 @!p0 $0x100000, s0;
	[bflag:$0x2] =	sbarrier.arrive $0xFFFF  }
0xb9: {  	[sflag:s0] =	ssyncadd.tile.s32 @!p0 $0x1;
	_ =	shalt  }
.Lfunc_end2:
_tile_overlayer_lowered:
.L_overlay_start_2:
0xba: {  	(tag) =	ssettag $0x2  }
0xbb: {  	s0 =	rddreg [dreg:$0x0];
	s2 =	stileid.u32  }
0xbc: {  	s1 =	rddreg [dreg:$0x1];
	p0 =	sne.s32 s2, $0x0  }
0xbd: {  	s3 =	rddreg [dreg:$0x2];
	[bflag:$0x3] =	sbarrier.arrive $0xFFFF;
	s2 =	simm.s32 @!p0 $0x1C01  }
0xbe: {  	[timem:s3], [sflag:s2] =	dma.local @!p0 [hbm:s0], s1  }
0xbf: {  	s0 =	simm.s32 @!p0 $0x1  }
0xc0: {  	_ =	swait.ge @!p0 [sflag:s0], s1  }
0xc1: {  	s1 =	ssub.s32 @!p0 $0x0, s1;
	[sflag:s0] =	ssyncset.done @!p0 $0x0  }
0xc2: {  	[sflag:s0] =	ssyncadd.s32 @!p0 s1  }
0xc3: {  	[bflag:$0x3] =	sbarrier.arrive $0xFFFF  }
0xc4: {  	_ =	shalt  }

</sc_bundles>
